<compile_context>
chip_gen: v7x
topology: tpu7x:2x2x1
jax: 0.10.2.dev20260603
libtpu: 0.0.44.dev20260713+nightly
codegen_flags: <defaults>
</compile_context>

<pallas_src>
import functools

import jax
import jax.numpy as jnp
from jax.experimental import pallas as pl

_B, _N, _C = 8, 20000, 80
_K = 300
_LANES = 128
_ROWS = (_N * _C) // _LANES


def _rowmax_body(x_ref, o_ref):
    o_ref[0, 0, :] = jnp.max(x_ref[0], axis=-1)


@jax.jit
def kernel(pred_logits, pred_boxes, orig_target_sizes):
    qmax = pl.pallas_call(
        _rowmax_body,
        grid=(_B,),
        in_specs=[pl.BlockSpec((1, _N, _C), lambda b: (b, 0, 0))],
        out_specs=pl.BlockSpec((1, 1, _N), lambda b: (b, 0, 0)),
        out_shape=jax.ShapeDtypeStruct((_B, 1, _N), jnp.float32),
    )(pred_logits)
    qmax = qmax.reshape(_B, _N)

    _, qrows = jax.lax.top_k(qmax, _K)
    qrows = jnp.sort(qrows, axis=1)
    cand = jnp.take_along_axis(pred_logits, qrows[:, :, None], axis=1)
    vals, pos = jax.lax.top_k(cand.reshape(_B, _K * _C), _K)
    row_in_cand = pos // _C
    labels = pos % _C
    qidx = jnp.take_along_axis(qrows, row_in_cand, axis=1)
    scores = jax.nn.sigmoid(vals)

    bx = jnp.take_along_axis(pred_boxes, qidx[:, :, None], axis=1)
    cx, cy, w, h = jnp.split(bx, 4, axis=-1)
    xyxy = jnp.concatenate(
        [cx - 0.5 * w, cy - 0.5 * h, cx + 0.5 * w, cy + 0.5 * h], axis=-1
    )
    scale = jnp.tile(orig_target_sizes.astype(jnp.float32), (1, 2))[:, None, :]
    boxes = xyxy * scale
    return labels, boxes, scores

# --- scband reference (transcript-rebuilt; emitter-appended) ---
"""Pipeline reference for scband-rtdetrpost-processor-19198503813628 (READ-ONLY COPY).

The authoritative reference and input builder live on the scoring server;
editing this copy changes nothing except your own understanding.
"""

import jax, jax.numpy as jnp
import numpy as np

B, N, C = 8, 20000, 80
NUM_TOP_QUERIES = 300
NUM_CLASSES = 80


def setup_inputs(seed: int = 0) -> dict:
    key = jax.random.key(seed)
    k1, k2, k3 = jax.random.split(key, 3)
    pred_logits = jax.random.normal(k1, (B, N, C), dtype=jnp.float32)
    pred_boxes = jax.random.uniform(k2, (B, N, 4), dtype=jnp.float32)
    orig_target_sizes = jax.random.randint(k3, (B, 2), 0, 1024).astype(jnp.int32)
    return {"pred_logits": pred_logits, "pred_boxes": pred_boxes, "orig_target_sizes": orig_target_sizes}


def reference(pred_logits, pred_boxes, orig_target_sizes):
    # box_convert cxcywh -> xyxy
    cx, cy, w, h = jnp.split(pred_boxes, 4, axis=-1)
    xyxy = jnp.concatenate([cx - 0.5 * w, cy - 0.5 * h, cx + 0.5 * w, cy + 0.5 * h], axis=-1)
    # scale by original image sizes: repeat(1,2).unsqueeze(1)
    scale = jnp.tile(orig_target_sizes.astype(jnp.float32), (1, 2))[:, None, :]  # [B,1,4]
    bbox_pred = xyxy * scale
    # focal-loss branch: sigmoid -> flatten -> topk over N*C
    scores_all = jax.nn.sigmoid(pred_logits)
    flat = scores_all.reshape(scores_all.shape[0], -1)  # [B, N*C]
    scores, index = jax.lax.top_k(flat, NUM_TOP_QUERIES)  # [B, K]
    # mod(index, num_classes) = index - index // num_classes * num_classes
    labels = index - (index // NUM_CLASSES) * NUM_CLASSES
    qidx = index // NUM_CLASSES
    # gather boxes by query index (broadcast over last dim like index.unsqueeze(-1).repeat)
    boxes = jnp.take_along_axis(bbox_pred, qidx[:, :, None], axis=1)  # [B, K, 4]
    # deploy-mode output (labels, boxes, scores)
    return labels, boxes, scores

if __name__ == "__main__":
    import jax
    _d = setup_inputs()
    print(jax.jit(kernel)(*tuple(_d.values())))

</pallas_src>

<mosaic_0001>
module attributes {stable_mosaic.version = 14 : i64} {
  func.func @_rowmax_body(%arg0: i32, %arg1: memref<1x20000x80xf32, #tpu.memory_space<vmem>>, %arg2: memref<1x1x20000xf32, #tpu.memory_space<vmem>>) attributes {dimension_semantics = [#tpu.dimension_semantics<arbitrary>], iteration_bounds = array<i64: 8>, scalar_prefetch = 0 : i64, scratch_operands = 0 : i64, tpu.core_type = #tpu.core_type<tc>, window_params = [{transform_indices = @transform_0, window_bounds = array<i64: 1, 20000, 80>}, {transform_indices = @transform_1, window_bounds = array<i64: 1, 1, 20000>}]} {
    %get3A = arith.constant 0 : index
    %get3A_0 = arith.constant 0 : index
    %get3A_1 = arith.constant 0 : index
    %get3A_2 = vector.load %arg1[%get3A, %get3A_0, %get3A_1] : memref<1x20000x80xf32, #tpu.memory_space<vmem>>, vector<1x20000x80xf32>
    %get3A_3 = vector.shape_cast %get3A_2 : vector<1x20000x80xf32> to vector<20000x80xf32>
    %reduce_max3A = arith.constant dense<0xFF800000> : vector<20000xf32>
    %reduce_max3A_4 = vector.multi_reduction <maximumf>, %get3A_3, %reduce_max3A [1] : vector<20000x80xf32> to vector<20000xf32>
    %swap3A = arith.constant 0 : index
    %swap3A_5 = arith.constant 0 : index
    %swap3A_6 = arith.constant 0 : index
    %swap3A_7 = vector.load %arg2[%swap3A, %swap3A_5, %swap3A_6] : memref<1x1x20000xf32, #tpu.memory_space<vmem>>, vector<1x1x20000xf32>
    %swap3A_8 = vector.shape_cast %swap3A_7 : vector<1x1x20000xf32> to vector<20000xf32>
    %swap3A_9 = vector.shape_cast %reduce_max3A_4 : vector<20000xf32> to vector<1x1x20000xf32>
    tpu.vector_store %arg2[%swap3A, %swap3A_5, %swap3A_6], %swap3A_9 {strides = array<i32>} : memref<1x1x20000xf32, #tpu.memory_space<vmem>>, vector<1x1x20000xf32>,
    return
  }
  func.func @transform_0(%arg0: i32) -> (i32, i32, i32) {
    %c0_i32 = arith.constant 0 : i32
    %c0_i32_0 = arith.constant 0 : i32
    %c0_i32_1 = arith.constant 0 : i32
    return %arg0, %c0_i32, %c0_i32_0 : i32, i32, i32
  }
  func.func @transform_1(%arg0: i32) -> (i32, i32, i32) {
    %c0_i32 = arith.constant 0 : i32
    %c0_i32_0 = arith.constant 0 : i32
    %c0_i32_1 = arith.constant 0 : i32
    return %arg0, %c0_i32, %c0_i32_0 : i32, i32, i32
  }
}

</mosaic_0001>

<sc_bundles>
// kernel: gather_offload_async_start.1
scs
__scs_entry_jumppad:
0x0: {  	(pc) =	sbr.rel $0x88, $3  }
0x1: {  	(tag) =	ssettag $0x0;
	lr =	simm.s32 $0x1  }
0x2: {  	[smem:$0x3F9E] =	sst lr;
	_ =	strace $0xD0000000  }
0x3: {  	_ = 	snop  }
0x4: {  	_ = 	snop  }
0x5: {  	_ = 	snop  }
0x6: {  	_ = 	snop  }
0x7: {  	_ = 	snop  }
__scs_overlays_trampoline_lowered:
0x8: {  	[smem:$0x3FAD] =	sst s0  }
0x9: {  	[smem:$0x3FAE] =	sst s1  }
0xa: {  	[smem:$0x3FAF] =	sst s2  }
0xb: {  	[smem:$0x3FB0] =	sst s3  }
0xc: {  	[smem:$0x3FB1] =	sst s4  }
0xd: {  	[smem:$0x3FB2] =	sst s5  }
0xe: {  	[smem:$0x3FB3] =	sst s6  }
0xf: {  	[smem:$0x3FB4] =	sst s7  }
0x10: {  	[smem:$0x3FB5] =	sst s8  }
0x11: {  	[smem:$0x3FB6] =	sst s9;
	s0 =	simm.s32 @!p0 $0x0  }
0x12: {  	s1 =	sld [smem:$0x3F9C];
	s0 =	simm.s32 @p0 $0x1  }
0x13: {  	[smem:$0x3FB7] =	sst s0;
	s0 =	simm.s32 @!p1 $0x0  }
0x14: {  	s2 =	sld [smem:$0x3F9B];
	s0 =	simm.s32 @p1 $0x1  }
0x15: {  	[smem:$0x3FB8] =	sst s0;
	s0 =	simm.s32 @!p2 $0x0  }
0x16: {  	s3 =	sld [smem:$0x3FDB];
	s0 =	simm.s32 @p2 $0x1  }
0x17: {  	s4 =	simm.s32 $0x1BF5;
	[smem:$0x3FBA] =	sst s0  }
0x18: {  	s0 =	sld [smem:$0x3F9D];
	_ =	swait.ge [sflag:s4], $0x0  }
0x19: {  	s7 =	sld [smem:$0x3F9E]  }
0x1a: {  	s8 =	sadd.s32 $0xFFFFE003, lr  }
0x1b: {  	s9 =	sadd.s32 $0xFFFFFEF7, lr;
	s5 =	simm.s32 $0xFFFFFFFF;
	p2 =	slt.u32 s8, $0xFFFFF086  }
0x1c: {  	p1 =	slt.u32 s9, $0xF7A;
	s5 =	simm.s32 @!p2 $0x0  }
0x1d: {  	s5 =	simm.s32 @p1 $0x1;
	p0 =	seq.s32 s7, s2  }
0x1e: {  	s7 =	smul.u32 @!p0 $0xF7A, s2;
	p2 =	seq.s32 @!p0 s5, $0x0  }
0x1f: {  	s9 =	smul.u32 $0xF7A, s1;
	s8 =	simm.s32 @!p0 $0x1BF5;
	p2 =	por !p2, p0  }
0x20: {  	[sflag:s8] =	ssyncset.s32 @!p0 $0xFFFFF086;
	s6 =	sadd.s32 @!p0 s3, s7;
	s7 =	simm.s32 @!p0 $0x108  }
0x21: {  	s3 =	sadd.s32 s3, s9;
	s6 =	sadd.s32 @!p0 $0x88, s6;
	s7 =	simm.s32 @p2 $0x1082  }
0x22: {  	[simem:s7], [sflag:s8] =	dma.local @!p0 [hbm:s6], $0xF7A  }
0x23: {  	s9 =	sor.u32 $0xD0000000, s2;
	s6 =	simm.s32 $0x108;
	_ =	swait.ge @!p0 [sflag:s8], $0x0  }
0x24: {  	s3 =	sadd.s32 $0x88, s3;
	s6 =	simm.s32 @!p1 $0x1082;
	[sflag:s4] =	ssyncset.s32 $0xFFFFF086  }
0x25: {  	[simem:s6], [sflag:s4] =	dma.local [hbm:s3], $0xF7A  }
0x26: {  	[smem:$0x3F9E] =	sst s1;
	(tag) =	ssettag s2;
	_ =	strace s9  }
0x27: {  	s1 =	sld [smem:$0x3FAE]  }
0x28: {  	s2 =	sld [smem:$0x3FAF]  }
0x29: {  	s4 =	sld [smem:$0x3FB1]  }
0x2a: {  	p0 =	seq.s32 s5, $0x0;
	s5 =	sld [smem:$0x3FB2]  }
0x2b: {  	s6 =	sld [smem:$0x3FB3]  }
0x2c: {  	s7 =	sld [smem:$0x3FB4]  }
0x2d: {  	s3 =	simm.s32 $0x108;
	s8 =	sld [smem:$0x3FB5]  }
0x2e: {  	s3 =	simm.s32 @!p0 $0x1082;
	s9 =	sld [smem:$0x3FB6]  }
0x2f: {  	lr =	sadd.s32 s0, s3;
	s0 =	sld [smem:$0x3FAD]  }
0x30: {  	s3 =	sld [smem:$0x3FB0]  }
0x31: {  	[smem:$0x3FB9] =	sst s10  }
0x32: {  	s10 =	sld [smem:$0x3FB7];
	_ =	sdelay $0x3  }
0x33: {  	p0 =	seq.s32 s10, $0x1;
	s10 =	sld [smem:$0x3FB9];
	_ =	sdelay $0x3  }
0x34: {  	[smem:$0x3FB9] =	sst s10  }
0x35: {  	s10 =	sld [smem:$0x3FB8];
	_ =	sdelay $0x3  }
0x36: {  	p1 =	seq.s32 s10, $0x1;
	s10 =	sld [smem:$0x3FB9];
	_ =	sdelay $0x3  }
0x37: {  	[smem:$0x3FB9] =	sst s10  }
0x38: {  	s10 =	sld [smem:$0x3FBA]  }
0x39: {  	_ = 	snop;
	(pc) =	sbr.ind lr, $3  }
0x3a: {  	_ = 	snop  }
0x3b: {  	_ = 	snop  }
0x3c: {  	p2 =	seq.s32 s10, $0x1;
	s10 =	sld [smem:$0x3FB9]  }
0x3d: {  	_ =	shalt  }
0x3e: {  	_ =	shalt  }
0x3f: {  	_ =	shalt  }
0x40: {  	_ =	shalt  }
0x41: {  	_ =	shalt  }
0x42: {  	_ =	shalt  }
0x43: {  	_ =	shalt  }
0x44: {  	_ =	shalt  }
0x45: {  	_ =	shalt  }
0x46: {  	_ =	shalt  }
0x47: {  	_ =	shalt  }
0x48: {  	_ =	shalt  }
0x49: {  	_ =	shalt  }
0x4a: {  	_ =	shalt  }
0x4b: {  	_ =	shalt  }
0x4c: {  	_ =	shalt  }
0x4d: {  	_ =	shalt  }
0x4e: {  	_ =	shalt  }
0x4f: {  	_ =	shalt  }
0x50: {  	_ =	shalt  }
0x51: {  	_ =	shalt  }
0x52: {  	_ =	shalt  }
0x53: {  	_ =	shalt  }
0x54: {  	_ =	shalt  }
0x55: {  	_ =	shalt  }
0x56: {  	_ =	shalt  }
0x57: {  	_ =	shalt  }
0x58: {  	_ =	shalt  }
0x59: {  	_ =	shalt  }
0x5a: {  	_ =	shalt  }
0x5b: {  	_ =	shalt  }
0x5c: {  	_ =	shalt  }
0x5d: {  	_ =	shalt  }
0x5e: {  	_ =	shalt  }
0x5f: {  	_ =	shalt  }
0x60: {  	_ =	shalt  }
0x61: {  	_ =	shalt  }
0x62: {  	_ =	shalt  }
0x63: {  	_ =	shalt  }
0x64: {  	_ =	shalt  }
0x65: {  	_ =	shalt  }
0x66: {  	_ =	shalt  }
0x67: {  	_ =	shalt  }
0x68: {  	_ =	shalt  }
0x69: {  	_ =	shalt  }
0x6a: {  	_ =	shalt  }
0x6b: {  	_ =	shalt  }
0x6c: {  	_ =	shalt  }
0x6d: {  	_ =	shalt  }
0x6e: {  	_ =	shalt  }
0x6f: {  	_ =	shalt  }
0x70: {  	_ =	shalt  }
0x71: {  	_ =	shalt  }
0x72: {  	_ =	shalt  }
0x73: {  	_ =	shalt  }
0x74: {  	_ =	shalt  }
0x75: {  	_ =	shalt  }
0x76: {  	_ =	shalt  }
0x77: {  	_ =	shalt  }
0x78: {  	_ =	shalt  }
0x79: {  	_ =	shalt  }
0x7a: {  	_ =	shalt  }
0x7b: {  	_ =	shalt  }
0x7c: {  	_ =	shalt  }
0x7d: {  	_ =	shalt  }
0x7e: {  	_ =	shalt  }
0x7f: {  	_ =	shalt  }
0x80: {  	_ =	shalt  }
0x81: {  	_ =	shalt  }
0x82: {  	_ =	shalt  }
0x83: {  	_ =	shalt  }
0x84: {  	_ =	shalt  }
0x85: {  	_ =	shalt  }
0x86: {  	_ =	shalt  }
0x87: {  	_ =	shalt  }
.Lfunc_end0:
.L_simem_size_0:
called_computation.1_lowered:
.L_overlay_start_0:
0x88: {  	s2 =	sld [smem:$0x3FD9]  }
0x89: {  	s3 =	sld [smem:$0x3FFE];
	_ =	sdelay $0x1  }
0x8a: {  	s1 =	srdreg.scid  }
0x8b: {  	s0 =	sand.u32 $0x1, s1  }
0x8c: {  	s14 =	sshll.u32 s0, $0xA;
	s2 =	sadd.s32 s3, s2  }
0x8d: {  	s2 =	sadd.s32 s2, s14  }
0x8e: {  	[smem:$0x3FC5] =	sst s2  }
0x8f: {  	_ = 	snop  }
0x90: {  	s2 =	sld [smem:$0x3FD0];
	_ =	sdelay $0x2  }
0x91: {  	s15 =	simm.s32 $0xA;
	s4 =	simm.s32 $0x10  }
0x92: {  	[smem:s4], [sflag:s15] =	dma.local [hbm:s2], $0x1  }
0x93: {  	_ =	swait.eq [sflag:s15], $0x1  }
0x94: {  	[sflag:s15] =	ssyncset.done $0x0  }
0x95: {  	[sflag:s15] =	ssyncadd.s32 $0xFFFFFFFF  }
0x96: {  	s16 =	sld [smem:$0x11];
	(tm) =	ssettm $0x1  }
0x97: {  	s17 =	sld [smem:$0x3FFB];
	_ =	sdelay $0x3  }
0x98: {  	_ =	strace s17  }
0x99: {  	s3 =	sld [smem:$0x3FFC];
	_ =	sdelay $0x3  }
0x9a: {  	_ =	strace s3  }
0x9b: {  	s3 =	sld [smem:$0x3FFD];
	_ =	sdelay $0x3  }
0x9c: {  	_ =	strace s3  }
0x9d: {  	_ =	strace $0x8FFFFFFF  }
0x9e: {  	s18 =	sld [smem:$0x3FDB];
	_ =	sdelay $0x1  }
0x9f: {  	s19 =	simm.s32 $_scs_section_size  }
0xa0: {  	s5 =	simm.s32 $_size__tile_overlayer_lowered;
	s6 =	simm.s32 $_tile_overlayer_lowered  }
0xa1: {  	s22 =	simm.s32 $0x1BFF;
	s21 =	sshll.u32 s6, $0x1;
	s3 =	sadd.s32 s19, s18  }
0xa2: {  	s7 =	simm.s32 $0x0;
	s20 =	sshll.u32 s5, $0x1;
	s5 =	sadd.s32 s21, s3  }
0xa3: {  	[timem:s7], [sflag:s22] =	dma.local [hbm:s5], s20  }
0xa4: {  	_ =	swait.ge [sflag:s22], s20  }
0xa5: {  	s4 =	ssub.s32 $0x0, s20;
	[sflag:s22] =	ssyncset.done $0x0  }
0xa6: {  	[sflag:s22] =	ssyncadd.s32 s4;
	_ =	sdelay $0x1  }
0xa7: {  	s23 =	simm.s32 $0x1B8B  }
0xa8: {  	_ =	swait.ge [sflag:s23], $0x1  }
0xa9: {  	[sflag:s23] =	ssyncset.done $0x0  }
0xaa: {  	s25 =	simm.s32 $0x1B8E;
	s24 =	sld [smem:$0x3FFE];
	[sflag:s23] =	ssyncadd.s32 $0xFFFFFFFF  }
0xab: {  	s26 =	simm.s32 $execute0_lowered;
	[smem:$0x3FD2] =	sst s25  }
0xac: {  	s5 =	sshll.u32 s26, $0x1;
	_ =	strace $0x80000049;
	[dreg:$0x1] =	wrdreg $0xFFFFFFFF  }
0xad: {  	s28 =	simm.s32 $_size_execute0_lowered;
	s3 =	sadd.s32 s3, s5;
	[dreg:$0x0] =	wrdreg $0x0  }
0xae: {  	s5 =	sshll.u32 s28, $0x1;
	[dreg:$0x2] =	wrdreg s3  }
0xaf: {  	[dreg:$0x3] =	wrdreg s5  }
0xb0: {  	[dreg:$0x4] =	wrdreg $0xC0  }
0xb1: {  	_ =	task [dreg:s7], $0x5FFFF  }
0xb2: {  	[dreg:$0x1] =	wrdreg $0xFFFFFFFF  }
0xb3: {  	[dreg:$0x0] =	wrdreg $0x60  }
0xb4: {  	[dreg:$0x2] =	wrdreg s16  }
0xb5: {  	[dreg:$0x3] =	wrdreg s24  }
0xb6: {  	[dreg:$0x4] =	wrdreg $0x9  }
0xb7: {  	_ =	task.clear_ibuf [dreg:s7], $0x5FFFF;
	_ =	strace $0x90000049  }
0xb8: {  	s29 =	simm.s32 $0x9;
	_ =	strace $0x8000004B  }
0xb9: {  	_ =	swait.ge [sflag:s29], $0x1  }
0xba: {  	[sflag:s29] =	ssyncadd.s32 $0xFFFFFFFF  }
0xbb: {  	_ =	strace $0x9000004B  }
0xbc: {  	_ =	sfence  }
0xbd: {  	s30 =	sld [smem:$0x0];
	_ =	sdelay $0x2  }
0xbe: {  	s31 =	sshll.u32 s1, $0xD;
	s1 =	sshrl.u32 s1, $0x2  }
0xbf: {  	s3 =	sand.u32 $0x4000, s31;
	s1 =	sadd.s32 s1, s30  }
0xc0: {  	s0 =	sor.u32 s3, s0;
	s1 =	sshll.u32 s1, $0x11  }
0xc1: {  	s0 =	sor.u32 s1, s0  }
0xc2: {  	s0 =	sadd.s32 $0x8F2B, s0  }
0xc3: {  	[sflag:s0] =	ssyncadd.remote.s32 $0x1  }
0xc4: {  	_ =	sfence.sel $0xFFFF  }
0xc5: {  	[dreg:$0x0] =	wrdreg $0xFFFFFFFF;
	(pc) =	sbr.abs _section_cstart, $3  }
0xc6: {  	[dreg:$0x1] =	wrdreg $0xFFFFFFFF  }
0xc7: {  	_ =	task.clear_ibuf [dreg:s7], $0x2FFFF;
	_ =	strace $0x9FFFFFFF  }
0xc8: {  	(tm) =	ssettm $0x7FFFFFFF  }
0xc9: {  	_ =	shalt  }
tec
execute0_lowered:
.L_overlay_start_1:
0x0: {  	(tag) =	ssettag $0x1  }
0x1: {  	s2 =	rddreg [dreg:$0x0]  }
0x2: {  	s3 =	rddreg [dreg:$0x1];
	s1 =	stileid.u32  }
0x3: {  	s4 =	srdreg.scid;
	s0 =	rddreg [dreg:$0x2];
	_ =	strace $0x8000004A  }
0x4: {  	s7 =	simm.s32 $0x1;
	s8 =	simm.s32 $0x1;
	s9 =	simm.s32 $0x3  }
0x5: {  	s10 =	simm.s32 $0x0;
	s5 =	sand.u32 $0x1, s4;
	s6 =	sshll.u32 s1, $0x1  }
0x6: {  	s13 =	simm.s32 $0x0;
	s4 =	simm.s32 $0x1;
	s5 =	sor.u32 s6, s5  }
.Ltmp0:
0x7: {  	[sflag:s4] =	ssyncpa.u1 $0x0;
	p0 =	slt.u32 s5, $0x13;
	(pc) =	sbr.rel .LBB2_1-.Ltmp0, $4  }
0x8: {  	s6 =	simm.s32 $0x2;
	s7 =	simm.s32 @!p0 $0x0;
	p0 =	sne.s32 s5, $0x12  }
0x9: {  	[sflag:s6] =	ssyncpa.u1 $0x0;
	s5 =	smul.u32 $0x30, s5;
	s8 =	simm.s32 @!p0 $0x0  }
0xa: {  	s12 =	simm.s32 $0x0;
	[sflag:s9] =	ssyncpa.u1 $0x0;
	s7 =	sadd.s32 s8, s7  }
0xb: {  	vm0 =	vmmov $0xffff;
	s8 =	sadd.s32 $0x200, s3;
	s11 =	smov.u32 s5;
	s9 =	sadd.s32 $0x1, s7  }
.LBB2_4:
0xc: {  	v3 =	vmul.u32 $0xC00, v3;
	v4 =	vshll.u32 v1, $0x3  }
0xd: {  	v2 =	vshll.u32 v2, $0x7;
	v4 =	vand.u32 $0xFFFFFC00, v4  }
0xe: {  	v2 =	vand.u32 $0x380, v2;
	v3 =	vadd.s32 v3, v4  }
0xf: {  	v63 =	vand.u32 $0x7F, v1;
	v2 =	vor.u32 v2, v3  }
0x10: {  	v1 =	vor.u32 v63, v2;
	_ =	sdelay $0x2  }
0x11: {  	[tilespmem:s15], [sflag:$0x1] =	stream.indirect_vreg.gather [hbm4b:s2+s10], $0x1, v0, vm0, $0x4038;
	[tilespmem:$0xC0] =	vst v63  }
0x12: {  	(ifvalue) =	ssetifvalue $0x7FFFFFFF;
	s29 =	sadd.s32 $0x10, s15  }
0x13: {  	[tilespmem:s29], [sflag:$0x1] =	stream.indirect_vreg.gather [hbm4b:s2+s10], $0x1, v1, vm0, $0x4038;
	[tilespmem:$0xC0] =	vst v63  }
0x14: {  	_ =	swait.ge [sflag:s4], $0x30  }
0x15: {  	s30 =	sshrl.u32 s13, $0x3;
	[sflag:s4] =	ssyncset.done $0x0  }
0x16: {  	s31 =	sand.u32 $0x7, s13;
	s15 =	sadd.s32 s8, s30;
	[sflag:s4] =	ssyncadd.s32 $0xFFFFFFD0  }
0x17: {  	[hbm4b:s15+s31] =	stream.linear.scatter [tilespmem:s14], [sflag:$0x3], $0x30, $0x38;
	[tilespmem:$0xC0] =	vst v63  }
.LBB2_5:
0x18: {  	s15 =	sadd.s32 $0x600, s11  }
0x19: {  	p1 =	sgt.s32 s15, $0x95F  }
0x1a: {  	s15 =	smov.u32 @p1 s5;
	p1 =	sne.s32 s12, s9  }
.Ltmp1:
0x1b: {  	p0 =	slt.u32 s12, $0x2;
	(pc) =	sbr.rel @!p1 .LBB2_6-.Ltmp1, $4  }
0x1c: {  	s14 =	simm.s32 @!p0 $0x3  }
0x1d: {  	_ =	swait.ge @!p0 [sflag:s14], $0x30  }
0x1e: {  	s16 =	sadd.s32 $0x1, s12;
	s13 =	smov.u32 s11;
	[sflag:s14] =	ssyncset.done @!p0 $0x0  }
0x1f: {  	s12 =	smov.u32 s16;
	s11 =	smov.u32 s15;
	[sflag:s14] =	ssyncadd.s32 @!p0 $0xFFFFFFD0  }
.LBB2_1:
0x20: {  	p0 =	sge.u32 s12, s7  }
0x21: {  	s14 =	sxor.u32 @!p0 $0x1, s12  }
0x22: {  	s14 =	smul.u32 @!p0 $0xC0, s14  }
0x23: {  	s31 =	sadd.s32 $0xFFFFFFFF, s12;
	s15 =	sshrl.u32 @!p0 s11, $0x3  }
0x24: {  	s16 =	sand.u32 @!p0 $0x7, s11;
	s15 =	sadd.s32 @!p0 s3, s15;
	s14 =	sshra.s32 @!p0 s14, $0x2  }
0x25: {  	[tilespmem:s14], [sflag:$0x2] =	stream.linear.gather @!p0 [hbm4b:s15+s16], $0x30, $0x38;
	[tilespmem:$0xC0] =	vst v63  }
0x26: {  	p0 =	sge.u32 s31, s7  }
.Ltmp2:
0x27: {  	_ = 	snop;
	(pc) =	sbr.rel @p0 .LBB2_5-.Ltmp2, $1  }
0x28: {  	_ =	sdelay $0x3  }
0x29: {  	s14 =	sand.u32 $0x1, s12  }
0x2a: {  	_ =	swait.ge [sflag:s6], $0x30;
	p0 =	seq.s32 s14, $0x1;
	s14 =	simm.s32 $0x30  }
0x2b: {  	[sflag:s6] =	ssyncset.done $0x0;
	s14 =	simm.s32 @!p0 $0x0  }
0x2c: {  	[sflag:s6] =	ssyncadd.s32 $0xFFFFFFD0;
	(ifvalue) =	ssetifvalue $0x7FFFFFFF;
	v0 =	vld.msk [tilespmem:s14+$0x0 ss:$0x1], $0xffff;
	_ =	sdelay $0x4  }
0x2d: {  	vm1 =	veq.s32 v0, $0x80000000;
	v1 =	vand.u32 $0x7, v0;
	v0 =	vshrl.u32 v0, $0x3  }
0x2e: {  	v1 =	vsel vm1, $0xFFFFFFFF, v1;
	v0 =	vand.u32 $0x1FF, v0  }
0x2f: {  	v0 =	vsel vm1, $0xFFFFFFFF, v0;
	v2 =	vshrl.u32 v1, $0x3  }
0x30: {  	s15 =	sadd.s32 $0x10, s14;
	v2 =	vmul.u32 $0xC00, v2;
	v4 =	vshll.u32 v0, $0x3  }
0x31: {  	v3 =	vld.msk [tilespmem:s15+$0x0 ss:$0x1], $0xffff;
	v1 =	vshll.u32 v1, $0x7;
	v4 =	vand.u32 $0xFFFFFC00, v4  }
0x32: {  	v1 =	vand.u32 $0x380, v1;
	v2 =	vadd.s32 v2, v4  }
0x33: {  	v0 =	vand.u32 $0x7F, v0;
	v1 =	vor.u32 v1, v2  }
0x34: {  	v0 =	vor.u32 v0, v1;
	_ =	sdelay $0x1  }
0x35: {  	vm1 =	veq.s32 v3, $0x80000000;
	v2 =	vand.u32 $0x7, v3;
	v3 =	vshrl.u32 v3, $0x3  }
0x36: {  	s16 =	simm.s32 $0x10;
	s14 =	sadd.s32 $0x60, s14;
	v2 =	vsel vm1, $0xFFFFFFFF, v2;
	v3 =	vand.u32 $0x1FF, v3  }
0x37: {  	s17 =	sadd.s32 $0x10, s15;
	(ifvalue) =	ssetifvalue $0x7FFFFFFF;
	s15 =	smov.u32 s14;
	v1 =	vsel vm1, $0xFFFFFFFF, v3;
	v3 =	vshrl.u32 v2, $0x3  }
.LBB2_3:
0x38: {  	v4 =	vld.msk [tilespmem:s17+$0x0 ss:$0x1], $0xffff;
	v3 =	vmul.u32 $0xC00, v3;
	v5 =	vshll.u32 v1, $0x3;
	[tilespmem:s15], [sflag:$0x1] =	stream.indirect_vreg.gather [hbm4b:s2+s10], $0x1, v0, vm0, $0x4038  }
0x39: {  	s16 =	sadd.s32 $0x10, s16;
	v2 =	vshll.u32 v2, $0x7;
	v0 =	vand.u32 $0xFFFFFC00, v5  }
0x3a: {  	p0 =	slt.u32 s16, $0x20;
	v2 =	vand.u32 $0x380, v2;
	v0 =	vadd.s32 v3, v0  }
0x3b: {  	v1 =	vand.u32 $0x7F, v1;
	v0 =	vor.u32 v2, v0  }
.Ltmp3:
0x3c: {  	v0 =	vor.u32 v1, v0;
	(pc) =	sbr.rel @p0 .LBB2_3-.Ltmp3, $4  }
0x3d: {  	_ = 	snop  }
0x3e: {  	vm1 =	veq.s32 v4, $0x80000000;
	v1 =	vand.u32 $0x7, v4;
	v3 =	vshrl.u32 v4, $0x3  }
0x3f: {  	v2 =	vsel vm1, $0xFFFFFFFF, v1;
	v1 =	vand.u32 $0x1FF, v3  }
0x40: {  	s17 =	sadd.s32 $0x10, s17;
	s15 =	sadd.s32 $0x10, s15;
	v1 =	vsel vm1, $0xFFFFFFFF, v1;
	v3 =	vshrl.u32 v2, $0x3;
	(ifvalue) =	ssetifvalue $0x7FFFFFFF  }
.Ltmp4:
0x41: {  	_ = 	snop;
	(pc) =	sbr.rel .LBB2_4-.Ltmp4, $1  }
0x42: {  	_ =	sdelay $0x3  }
.LBB2_6:
0x43: {  	_ =	sfence.sel $0x180000  }
0x44: {  	s2 =	simm.s32 $0x2;
	[bflag:$0x0] =	sbarrier.arrive $0xFFFF  }
0x45: {  	s30 =	simm.s32 $0x3;
	[sflag:s2] =	ssyncpa.u1 $0x1  }
0x46: {  	s31 =	simm.s32 $0x1;
	[sflag:s30] =	ssyncpa.u1 $0x1  }
0x47: {  	[sflag:s31] =	ssyncpa.u1 $0x1  }
0x48: {  	p0 =	sne.s32 s1, $0x0;
	_ =	strace $0x9000004A  }
0x49: {  	s0 =	sadd.s32 @!p0 $0x100000, s0;
	[bflag:$0x2] =	sbarrier.arrive $0xFFFF  }
0x4a: {  	[sflag:s0] =	ssyncadd.tile.s32 @!p0 $0x1;
	_ =	shalt  }
.Lfunc_end2:
_tile_overlayer_lowered:
.L_overlay_start_2:
0x4b: {  	(tag) =	ssettag $0x2  }
0x4c: {  	s0 =	rddreg [dreg:$0x0];
	s2 =	stileid.u32  }
0x4d: {  	s1 =	rddreg [dreg:$0x1];
	p0 =	sne.s32 s2, $0x0  }
0x4e: {  	s3 =	rddreg [dreg:$0x2];
	[bflag:$0x3] =	sbarrier.arrive $0xFFFF;
	s2 =	simm.s32 @!p0 $0x1C01  }
0x4f: {  	[timem:s3], [sflag:s2] =	dma.local @!p0 [hbm:s0], s1  }
0x50: {  	s0 =	simm.s32 @!p0 $0x1  }
0x51: {  	_ =	swait.ge @!p0 [sflag:s0], s1  }
0x52: {  	s1 =	ssub.s32 @!p0 $0x0, s1;
	[sflag:s0] =	ssyncset.done @!p0 $0x0  }
0x53: {  	[sflag:s0] =	ssyncadd.s32 @!p0 s1  }
0x54: {  	[bflag:$0x3] =	sbarrier.arrive $0xFFFF  }
0x55: {  	_ =	shalt  }

// kernel: gather_offload_async_start.2
scs
__scs_entry_jumppad:
0x0: {  	(pc) =	sbr.rel $0x88, $3  }
0x1: {  	(tag) =	ssettag $0x0;
	lr =	simm.s32 $0x1  }
0x2: {  	[smem:$0x3F9E] =	sst lr;
	_ =	strace $0xD0000000  }
0x3: {  	_ = 	snop  }
0x4: {  	_ = 	snop  }
0x5: {  	_ = 	snop  }
0x6: {  	_ = 	snop  }
0x7: {  	_ = 	snop  }
__scs_overlays_trampoline_lowered:
0x8: {  	[smem:$0x3FAD] =	sst s0  }
0x9: {  	[smem:$0x3FAE] =	sst s1  }
0xa: {  	[smem:$0x3FAF] =	sst s2  }
0xb: {  	[smem:$0x3FB0] =	sst s3  }
0xc: {  	[smem:$0x3FB1] =	sst s4  }
0xd: {  	[smem:$0x3FB2] =	sst s5  }
0xe: {  	[smem:$0x3FB3] =	sst s6  }
0xf: {  	[smem:$0x3FB4] =	sst s7  }
0x10: {  	[smem:$0x3FB5] =	sst s8  }
0x11: {  	[smem:$0x3FB6] =	sst s9;
	s0 =	simm.s32 @!p0 $0x0  }
0x12: {  	s1 =	sld [smem:$0x3F9C];
	s0 =	simm.s32 @p0 $0x1  }
0x13: {  	[smem:$0x3FB7] =	sst s0;
	s0 =	simm.s32 @!p1 $0x0  }
0x14: {  	s2 =	sld [smem:$0x3F9B];
	s0 =	simm.s32 @p1 $0x1  }
0x15: {  	[smem:$0x3FB8] =	sst s0;
	s0 =	simm.s32 @!p2 $0x0  }
0x16: {  	s3 =	sld [smem:$0x3FDB];
	s0 =	simm.s32 @p2 $0x1  }
0x17: {  	s4 =	simm.s32 $0x1BF5;
	[smem:$0x3FBA] =	sst s0  }
0x18: {  	s0 =	sld [smem:$0x3F9D];
	_ =	swait.ge [sflag:s4], $0x0  }
0x19: {  	s7 =	sld [smem:$0x3F9E]  }
0x1a: {  	s8 =	sadd.s32 $0xFFFFE003, lr  }
0x1b: {  	s9 =	sadd.s32 $0xFFFFFEF7, lr;
	s5 =	simm.s32 $0xFFFFFFFF;
	p2 =	slt.u32 s8, $0xFFFFF086  }
0x1c: {  	p1 =	slt.u32 s9, $0xF7A;
	s5 =	simm.s32 @!p2 $0x0  }
0x1d: {  	s5 =	simm.s32 @p1 $0x1;
	p0 =	seq.s32 s7, s2  }
0x1e: {  	s7 =	smul.u32 @!p0 $0xF7A, s2;
	p2 =	seq.s32 @!p0 s5, $0x0  }
0x1f: {  	s9 =	smul.u32 $0xF7A, s1;
	s8 =	simm.s32 @!p0 $0x1BF5;
	p2 =	por !p2, p0  }
0x20: {  	[sflag:s8] =	ssyncset.s32 @!p0 $0xFFFFF086;
	s6 =	sadd.s32 @!p0 s3, s7;
	s7 =	simm.s32 @!p0 $0x108  }
0x21: {  	s3 =	sadd.s32 s3, s9;
	s6 =	sadd.s32 @!p0 $0x88, s6;
	s7 =	simm.s32 @p2 $0x1082  }
0x22: {  	[simem:s7], [sflag:s8] =	dma.local @!p0 [hbm:s6], $0xF7A  }
0x23: {  	s9 =	sor.u32 $0xD0000000, s2;
	s6 =	simm.s32 $0x108;
	_ =	swait.ge @!p0 [sflag:s8], $0x0  }
0x24: {  	s3 =	sadd.s32 $0x88, s3;
	s6 =	simm.s32 @!p1 $0x1082;
	[sflag:s4] =	ssyncset.s32 $0xFFFFF086  }
0x25: {  	[simem:s6], [sflag:s4] =	dma.local [hbm:s3], $0xF7A  }
0x26: {  	[smem:$0x3F9E] =	sst s1;
	(tag) =	ssettag s2;
	_ =	strace s9  }
0x27: {  	s1 =	sld [smem:$0x3FAE]  }
0x28: {  	s2 =	sld [smem:$0x3FAF]  }
0x29: {  	s4 =	sld [smem:$0x3FB1]  }
0x2a: {  	p0 =	seq.s32 s5, $0x0;
	s5 =	sld [smem:$0x3FB2]  }
0x2b: {  	s6 =	sld [smem:$0x3FB3]  }
0x2c: {  	s7 =	sld [smem:$0x3FB4]  }
0x2d: {  	s3 =	simm.s32 $0x108;
	s8 =	sld [smem:$0x3FB5]  }
0x2e: {  	s3 =	simm.s32 @!p0 $0x1082;
	s9 =	sld [smem:$0x3FB6]  }
0x2f: {  	lr =	sadd.s32 s0, s3;
	s0 =	sld [smem:$0x3FAD]  }
0x30: {  	s3 =	sld [smem:$0x3FB0]  }
0x31: {  	[smem:$0x3FB9] =	sst s10  }
0x32: {  	s10 =	sld [smem:$0x3FB7];
	_ =	sdelay $0x3  }
0x33: {  	p0 =	seq.s32 s10, $0x1;
	s10 =	sld [smem:$0x3FB9];
	_ =	sdelay $0x3  }
0x34: {  	[smem:$0x3FB9] =	sst s10  }
0x35: {  	s10 =	sld [smem:$0x3FB8];
	_ =	sdelay $0x3  }
0x36: {  	p1 =	seq.s32 s10, $0x1;
	s10 =	sld [smem:$0x3FB9];
	_ =	sdelay $0x3  }
0x37: {  	[smem:$0x3FB9] =	sst s10  }
0x38: {  	s10 =	sld [smem:$0x3FBA]  }
0x39: {  	_ = 	snop;
	(pc) =	sbr.ind lr, $3  }
0x3a: {  	_ = 	snop  }
0x3b: {  	_ = 	snop  }
0x3c: {  	p2 =	seq.s32 s10, $0x1;
	s10 =	sld [smem:$0x3FB9]  }
0x3d: {  	_ =	shalt  }
0x3e: {  	_ =	shalt  }
0x3f: {  	_ =	shalt  }
0x40: {  	_ =	shalt  }
0x41: {  	_ =	shalt  }
0x42: {  	_ =	shalt  }
0x43: {  	_ =	shalt  }
0x44: {  	_ =	shalt  }
0x45: {  	_ =	shalt  }
0x46: {  	_ =	shalt  }
0x47: {  	_ =	shalt  }
0x48: {  	_ =	shalt  }
0x49: {  	_ =	shalt  }
0x4a: {  	_ =	shalt  }
0x4b: {  	_ =	shalt  }
0x4c: {  	_ =	shalt  }
0x4d: {  	_ =	shalt  }
0x4e: {  	_ =	shalt  }
0x4f: {  	_ =	shalt  }
0x50: {  	_ =	shalt  }
0x51: {  	_ =	shalt  }
0x52: {  	_ =	shalt  }
0x53: {  	_ =	shalt  }
0x54: {  	_ =	shalt  }
0x55: {  	_ =	shalt  }
0x56: {  	_ =	shalt  }
0x57: {  	_ =	shalt  }
0x58: {  	_ =	shalt  }
0x59: {  	_ =	shalt  }
0x5a: {  	_ =	shalt  }
0x5b: {  	_ =	shalt  }
0x5c: {  	_ =	shalt  }
0x5d: {  	_ =	shalt  }
0x5e: {  	_ =	shalt  }
0x5f: {  	_ =	shalt  }
0x60: {  	_ =	shalt  }
0x61: {  	_ =	shalt  }
0x62: {  	_ =	shalt  }
0x63: {  	_ =	shalt  }
0x64: {  	_ =	shalt  }
0x65: {  	_ =	shalt  }
0x66: {  	_ =	shalt  }
0x67: {  	_ =	shalt  }
0x68: {  	_ =	shalt  }
0x69: {  	_ =	shalt  }
0x6a: {  	_ =	shalt  }
0x6b: {  	_ =	shalt  }
0x6c: {  	_ =	shalt  }
0x6d: {  	_ =	shalt  }
0x6e: {  	_ =	shalt  }
0x6f: {  	_ =	shalt  }
0x70: {  	_ =	shalt  }
0x71: {  	_ =	shalt  }
0x72: {  	_ =	shalt  }
0x73: {  	_ =	shalt  }
0x74: {  	_ =	shalt  }
0x75: {  	_ =	shalt  }
0x76: {  	_ =	shalt  }
0x77: {  	_ =	shalt  }
0x78: {  	_ =	shalt  }
0x79: {  	_ =	shalt  }
0x7a: {  	_ =	shalt  }
0x7b: {  	_ =	shalt  }
0x7c: {  	_ =	shalt  }
0x7d: {  	_ =	shalt  }
0x7e: {  	_ =	shalt  }
0x7f: {  	_ =	shalt  }
0x80: {  	_ =	shalt  }
0x81: {  	_ =	shalt  }
0x82: {  	_ =	shalt  }
0x83: {  	_ =	shalt  }
0x84: {  	_ =	shalt  }
0x85: {  	_ =	shalt  }
0x86: {  	_ =	shalt  }
0x87: {  	_ =	shalt  }
.Lfunc_end0:
.L_simem_size_0:
called_computation.2_lowered:
.L_overlay_start_0:
0x88: {  	s2 =	sld [smem:$0x3FD9]  }
0x89: {  	s3 =	sld [smem:$0x3FFE];
	_ =	sdelay $0x1  }
0x8a: {  	s1 =	srdreg.scid  }
0x8b: {  	s0 =	sand.u32 $0x1, s1  }
0x8c: {  	s14 =	sshll.u32 s0, $0xA;
	s2 =	sadd.s32 s3, s2  }
0x8d: {  	s2 =	sadd.s32 s2, s14  }
0x8e: {  	[smem:$0x3FC5] =	sst s2  }
0x8f: {  	_ = 	snop  }
0x90: {  	s2 =	sld [smem:$0x3FD0];
	_ =	sdelay $0x2  }
0x91: {  	s15 =	simm.s32 $0xA;
	s4 =	simm.s32 $0x10  }
0x92: {  	[smem:s4], [sflag:s15] =	dma.local [hbm:s2], $0x1  }
0x93: {  	_ =	swait.eq [sflag:s15], $0x1  }
0x94: {  	[sflag:s15] =	ssyncset.done $0x0  }
0x95: {  	[sflag:s15] =	ssyncadd.s32 $0xFFFFFFFF  }
0x96: {  	s16 =	sld [smem:$0x11];
	(tm) =	ssettm $0x1  }
0x97: {  	s17 =	sld [smem:$0x3FFB];
	_ =	sdelay $0x3  }
0x98: {  	_ =	strace s17  }
0x99: {  	s3 =	sld [smem:$0x3FFC];
	_ =	sdelay $0x3  }
0x9a: {  	_ =	strace s3  }
0x9b: {  	s3 =	sld [smem:$0x3FFD];
	_ =	sdelay $0x3  }
0x9c: {  	_ =	strace s3  }
0x9d: {  	_ =	strace $0x8FFFFFFF  }
0x9e: {  	s18 =	sld [smem:$0x3FDB];
	_ =	sdelay $0x1  }
0x9f: {  	s19 =	simm.s32 $_scs_section_size  }
0xa0: {  	s5 =	simm.s32 $_size__tile_overlayer_lowered;
	s6 =	simm.s32 $_tile_overlayer_lowered  }
0xa1: {  	s22 =	simm.s32 $0x1BFF;
	s21 =	sshll.u32 s6, $0x1;
	s3 =	sadd.s32 s19, s18  }
0xa2: {  	s7 =	simm.s32 $0x0;
	s20 =	sshll.u32 s5, $0x1;
	s5 =	sadd.s32 s21, s3  }
0xa3: {  	[timem:s7], [sflag:s22] =	dma.local [hbm:s5], s20  }
0xa4: {  	_ =	swait.ge [sflag:s22], s20  }
0xa5: {  	s4 =	ssub.s32 $0x0, s20;
	[sflag:s22] =	ssyncset.done $0x0  }
0xa6: {  	[sflag:s22] =	ssyncadd.s32 s4;
	_ =	sdelay $0x1  }
0xa7: {  	s23 =	simm.s32 $0x1B8B  }
0xa8: {  	_ =	swait.ge [sflag:s23], $0x1  }
0xa9: {  	[sflag:s23] =	ssyncset.done $0x0  }
0xaa: {  	s25 =	simm.s32 $0x1B8E;
	s24 =	sld [smem:$0x3FFE];
	[sflag:s23] =	ssyncadd.s32 $0xFFFFFFFF  }
0xab: {  	s26 =	simm.s32 $execute0_lowered;
	[smem:$0x3FD2] =	sst s25  }
0xac: {  	s5 =	sshll.u32 s26, $0x1;
	_ =	strace $0x8000004C;
	[dreg:$0x1] =	wrdreg $0xFFFFFFFF  }
0xad: {  	s28 =	simm.s32 $_size_execute0_lowered;
	s3 =	sadd.s32 s3, s5;
	[dreg:$0x0] =	wrdreg $0x0  }
0xae: {  	s5 =	sshll.u32 s28, $0x1;
	[dreg:$0x2] =	wrdreg s3  }
0xaf: {  	[dreg:$0x3] =	wrdreg s5  }
0xb0: {  	[dreg:$0x4] =	wrdreg $0xC0  }
0xb1: {  	_ =	task [dreg:s7], $0x5FFFF  }
0xb2: {  	[dreg:$0x1] =	wrdreg $0xFFFFFFFF  }
0xb3: {  	[dreg:$0x0] =	wrdreg $0x60  }
0xb4: {  	[dreg:$0x2] =	wrdreg s24  }
0xb5: {  	[dreg:$0x3] =	wrdreg s16  }
0xb6: {  	[dreg:$0x4] =	wrdreg $0x9  }
0xb7: {  	_ =	task.clear_ibuf [dreg:s7], $0x5FFFF;
	_ =	strace $0x9000004C  }
0xb8: {  	s29 =	simm.s32 $0x9;
	_ =	strace $0x8000004E  }
0xb9: {  	_ =	swait.ge [sflag:s29], $0x1  }
0xba: {  	[sflag:s29] =	ssyncadd.s32 $0xFFFFFFFF  }
0xbb: {  	_ =	strace $0x9000004E  }
0xbc: {  	_ =	sfence  }
0xbd: {  	s30 =	sld [smem:$0x0];
	_ =	sdelay $0x2  }
0xbe: {  	s31 =	sshll.u32 s1, $0xD;
	s1 =	sshrl.u32 s1, $0x2  }
0xbf: {  	s3 =	sand.u32 $0x4000, s31;
	s1 =	sadd.s32 s1, s30  }
0xc0: {  	s0 =	sor.u32 s3, s0;
	s1 =	sshll.u32 s1, $0x11  }
0xc1: {  	s0 =	sor.u32 s1, s0  }
0xc2: {  	s0 =	sadd.s32 $0x8F2B, s0  }
0xc3: {  	[sflag:s0] =	ssyncadd.remote.s32 $0x1  }
0xc4: {  	_ =	sfence.sel $0xFFFF  }
0xc5: {  	[dreg:$0x0] =	wrdreg $0xFFFFFFFF;
	(pc) =	sbr.abs _section_cstart, $3  }
0xc6: {  	[dreg:$0x1] =	wrdreg $0xFFFFFFFF  }
0xc7: {  	_ =	task.clear_ibuf [dreg:s7], $0x2FFFF;
	_ =	strace $0x9FFFFFFF  }
0xc8: {  	(tm) =	ssettm $0x7FFFFFFF  }
0xc9: {  	_ =	shalt  }
tec
execute0_lowered:
.L_overlay_start_1:
0x0: {  	(tag) =	ssettag $0x1  }
0x1: {  	s0 =	srdreg.scid  }
0x2: {  	s1 =	sshll.u32 s0, $0x4  }
0x3: {  	s0 =	stileid.u32;
	s1 =	sand.u32 $0x10, s1  }
0x4: {  	s2 =	sor.u32 s0, s1  }
0x5: {  	s1 =	smin.u32 s2, $0x1C  }
0x6: {  	s1 =	sadd.s32 s2, s1  }
0x7: {  	p0 =	slt.u32 s2, $0x1C;
	s2 =	simm.s32 $0x50;
	s1 =	smul.u32 $0x28, s1  }
0x8: {  	s2 =	simm.s32 @!p0 $0x28  }
0x9: {  	s2 =	sadd.s32 s2, s1  }
0xa: {  	s3 =	smin.u32 s2, $0x960  }
0xb: {  	s7 =	ssub.s32 s3, s1  }
0xc: {  	p0 =	sgt.s32 s7, $0x0  }
0xd: {  	s7 =	simm.s32 @!p0 $0x0  }
0xe: {  	s4 =	rddreg [dreg:$0x0];
	s31 =	smul.u32 $0xCCCD, s7  }
0xf: {  	s5 =	rddreg [dreg:$0x1]  }
0x10: {  	s6 =	simm.s32 $0x1;
	s10 =	simm.s32 $0x3;
	s8 =	sshrl.u32 s31, $0x15  }
0x11: {  	s13 =	simm.s32 $0x0;
	s12 =	simm.s32 $0x0;
	s9 =	smul.u32 $0x28, s8  }
.Ltmp0:
0x12: {  	s11 =	smov.u32 s1;
	s2 =	rddreg [dreg:$0x2];
	(pc) =	sbr.rel .LBB2_1-.Ltmp0, $4  }
0x13: {  	_ =	strace $0x8000004D;
	p0 =	sne.s32 s7, s9;
	s9 =	simm.s32 $0x1  }
0x14: {  	[sflag:s6] =	ssyncpa.u1 $0x0;
	s7 =	simm.s32 $0x2;
	s9 =	simm.s32 @!p0 $0x0  }
0x15: {  	[sflag:s7] =	ssyncpa.u1 $0x0;
	p0 =	por $0x0, $0x0;
	s8 =	sadd.s32 s8, s9  }
0x16: {  	vm0 =	vmmov $0xff;
	vm1 =	vcmask $0x3F20;
	s9 =	sadd.s32 $0x27A600, s4;
	[sflag:s10] =	ssyncpa.u1 $0x0;
	s10 =	sadd.s32 $0x1, s8  }
.LBB2_6:
0x17: {  	[hbm:s17] =	stream.linear.scatter [tilespmem:s14], [sflag:$0x3], $0x400, $0x38;
	[tilespmem:$0x2850] =	vst v63  }
.LBB2_7:
0x18: {  	s13 =	sadd.s32 $0x28, s11  }
0x19: {  	s15 =	smov.u32 s1;
	p2 =	slt.s32 s13, s3  }
0x1a: {  	s15 =	smov.u32 @p2 s13;
	p2 =	sne.s32 s12, s10  }
.Ltmp1:
0x1b: {  	p1 =	slt.u32 s12, $0x2;
	(pc) =	sbr.rel @!p2 .LBB2_8-.Ltmp1, $4  }
0x1c: {  	s14 =	simm.s32 @!p1 $0x3  }
0x1d: {  	s16 =	sadd.s32 $0x1, s12;
	_ =	swait.ge @!p1 [sflag:s14], $0x1400  }
0x1e: {  	p0 =	por !p0, !p0;
	s13 =	smov.u32 s11;
	[sflag:s14] =	ssyncset.done @!p1 $0x0  }
0x1f: {  	s12 =	smov.u32 s16;
	s11 =	smov.u32 s15;
	[sflag:s14] =	ssyncadd.s32 @!p1 $0xFFFFEC00  }
.LBB2_1:
0x20: {  	p1 =	sge.u32 s12, s8  }
0x21: {  	s14 =	sxor.u32 @!p1 $0xFFFFFFFF, s12  }
0x22: {  	s14 =	sand.u32 @!p1 $0x1, s14  }
0x23: {  	s14 =	smul.u32 @!p1 $0xA0, s14  }
0x24: {  	s31 =	sadd.s32 $0xFFFFFFFF, s12;
	s15 =	sshrl.u32 @!p1 s11, $0x3  }
0x25: {  	s16 =	sand.u32 @!p1 $0x7, s11;
	s15 =	sadd.s32 @!p1 s5, s15;
	s14 =	sshrl.u32 @!p1 s14, $0x2  }
0x26: {  	[tilespmem:s14], [sflag:$0x2] =	stream.linear.gather @!p1 [hbm4b:s15+s16], $0x28, $0x38;
	[tilespmem:$0x2850] =	vst v63  }
0x27: {  	p1 =	sge.u32 s31, s8  }
.Ltmp2:
0x28: {  	_ = 	snop;
	(pc) =	sbr.rel @p1 .LBB2_7-.Ltmp2, $1  }
0x29: {  	_ =	sdelay $0x3  }
0x2a: {  	s15 =	sand.u32 $0x1, s12  }
0x2b: {  	s14 =	simm.s32 $0x1;
	s16 =	smul.u32 $0xA0, s15  }
0x2c: {  	s14 =	simm.s32 @!p0 $0x0;
	s15 =	smul.u32 $0x5000, s15  }
0x2d: {  	_ =	swait.ge [sflag:s7], $0x28;
	s14 =	smul.u32 $0x5000, s14  }
0x2e: {  	s18 =	simm.s32 $0x0;
	p1 =	por $0x1, $0x1;
	[sflag:s7] =	ssyncset.done $0x0  }
0x2f: {  	[sflag:s7] =	ssyncadd.s32 $0xFFFFFFD8;
	s15 =	sshrl.u32 s15, $0x2;
	s14 =	sshrl.u32 s14, $0x2  }
0x30: {  	s16 =	sshrl.u32 s16, $0x2;
	s17 =	sor.u32 $0x50, s15;
	s14 =	sor.u32 $0x50, s14  }
.LBB2_3:
0x31: {  	s19 =	sshll.u32 s18, $0x4  }
0x32: {  	s19 =	sand.u32 $0x3FFFFFF0, s19  }
0x33: {  	s19 =	sadd.s32 s19, s16  }
0x34: {  	v0 =	vld.msk [tilespmem:s19+$0x0 ss:$0x1], $0xffff;
	_ =	sdelay $0x4  }
0x35: {  	v1 =	vand.u32 $0x7, v0;
	v2 =	vshll.u32 v0, $0x4  }
0x36: {  	vm2 =	veq.s32 v0, $0x80000000;
	v61 =	vmul.u32 $0x271000, v1;
	v62 =	vand.u32 $0x3FFF80, v2  }
0x37: {  	v1 =	vsel vm2, $0xFFFFFF80, v62  }
0x38: {  	v0 =	vsel vm2, $0xFFD8F000, v61;
	v63 =	vand.u32 $0xFFFFFC00, v1  }
0x39: {  	v1 =	vand.u32 $0x380, v1;
	v0 =	vadd.s32 v0, v63  }
0x3a: {  	v0 =	vor.u32 v1, v0  }
0x3b: {  	v0 =	vshrl.u32 v0, $0x3;
	_ =	sdelay $0x1  }
0x3c: {  	s31 =	sshll.u32 s18, $0xB  }
0x3d: {  	p2 =	por p1, p1;
	s18 =	sand.u32 $0x3FFFF800, s31  }
.Ltmp3:
0x3e: {  	s18 =	sadd.s32 s18, s17;
	(pc) =	sbr.rel @p2 .LBB2_3-.Ltmp3, $4  }
0x3f: {  	[tilespmem:s18], [sflag:$0x1] =	stream.indirect_vreg.gather [hbm:s9], $0x80, v0, vm0, $0x38;
	[tilespmem:$0x2850] =	vst v63  }
0x40: {  	s18 =	sadd.s32 $0x400, s18  }
0x41: {  	[tilespmem:s18], [sflag:$0x1] =	stream.indirect_vreg.gather [hbm:s9], $0x80, v0, vm1, $0x38;
	[tilespmem:$0x2850] =	vst v63  }
0x42: {  	p1 =	por $0x0, $0x0;
	s18 =	simm.s32 $0x1  }
0x43: {  	v0 =	vld.msk [tilespmem:s16+$0x20 ss:$0x1], $0xff;
	_ =	sdelay $0x4  }
0x44: {  	v1 =	vand.u32 $0x7, v0;
	v2 =	vshll.u32 v0, $0x4  }
0x45: {  	vm2 =	veq.s32 v0, $0x80000000;
	v61 =	vmul.u32 $0x271000, v1;
	v62 =	vand.u32 $0x3FFF80, v2  }
0x46: {  	v1 =	vsel vm2, $0xFFFFFF80, v62  }
0x47: {  	v0 =	vsel vm2, $0xFFD8F000, v61;
	v63 =	vand.u32 $0xFFFFFC00, v1  }
0x48: {  	v1 =	vand.u32 $0x380, v1;
	v0 =	vadd.s32 v0, v63  }
0x49: {  	v0 =	vor.u32 v1, v0  }
0x4a: {  	v0 =	vshrl.u32 v0, $0x3;
	_ =	sdelay $0x3  }
0x4b: {  	s15 =	sadd.s32 $0x1050, s15  }
0x4c: {  	[tilespmem:s15], [sflag:$0x1] =	stream.indirect_vreg.gather [hbm:s9], $0x80, v0, vm0, $0x38;
	[tilespmem:$0x2850] =	vst v63  }
0x4d: {  	s13 =	sshll.u32 s13, $0x4;
	_ =	swait.ge [sflag:s6], $0x1400  }
0x4e: {  	s16 =	sadd.s32 $0x400, s14;
	s13 =	sadd.s32 s13, s4;
	[sflag:s6] =	ssyncset.done $0x0  }
0x4f: {  	s17 =	sadd.s32 $0x0, s13;
	s15 =	simm.s32 $0x80;
	[sflag:s6] =	ssyncadd.s32 $0xFFFFEC00  }
.LBB2_5:
0x50: {  	[hbm:s17] =	stream.linear.scatter [tilespmem:s14], [sflag:$0x3], $0x400, $0x38;
	[tilespmem:$0x2850] =	vst v63  }
0x51: {  	s17 =	smov.u32 s15;
	s14 =	smov.u32 s16;
	p1 =	sne.s32 s15, $0x200  }
.Ltmp4:
0x52: {  	s15 =	sadd.s32 $0x80, s15;
	(pc) =	sbr.rel @p1 .LBB2_5-.Ltmp4, $2  }
0x53: {  	_ =	sdelay $0x2  }
0x54: {  	s16 =	sadd.s32 $0x400, s16;
	s17 =	sadd.s32 s17, s13  }
.Ltmp5:
0x55: {  	_ = 	snop;
	(pc) =	sbr.rel .LBB2_6-.Ltmp5, $1  }
0x56: {  	_ =	sdelay $0x3  }
.LBB2_8:
0x57: {  	_ =	sfence.sel $0x180000  }
0x58: {  	s1 =	simm.s32 $0x2;
	[bflag:$0x0] =	sbarrier.arrive $0xFFFF  }
0x59: {  	s30 =	simm.s32 $0x3;
	[sflag:s1] =	ssyncpa.u1 $0x1  }
0x5a: {  	s31 =	simm.s32 $0x1;
	[sflag:s30] =	ssyncpa.u1 $0x1  }
0x5b: {  	[sflag:s31] =	ssyncpa.u1 $0x1  }
0x5c: {  	p0 =	sne.s32 s0, $0x0;
	_ =	strace $0x9000004D  }
0x5d: {  	s0 =	sadd.s32 @!p0 $0x100000, s2;
	[bflag:$0x2] =	sbarrier.arrive $0xFFFF  }
0x5e: {  	[sflag:s0] =	ssyncadd.tile.s32 @!p0 $0x1;
	_ =	shalt  }
.Lfunc_end2:
_tile_overlayer_lowered:
.L_overlay_start_2:
0x5f: {  	(tag) =	ssettag $0x2  }
0x60: {  	s0 =	rddreg [dreg:$0x0];
	s2 =	stileid.u32  }
0x61: {  	s1 =	rddreg [dreg:$0x1];
	p0 =	sne.s32 s2, $0x0  }
0x62: {  	s3 =	rddreg [dreg:$0x2];
	[bflag:$0x3] =	sbarrier.arrive $0xFFFF;
	s2 =	simm.s32 @!p0 $0x1C01  }
0x63: {  	[timem:s3], [sflag:s2] =	dma.local @!p0 [hbm:s0], s1  }
0x64: {  	s0 =	simm.s32 @!p0 $0x1  }
0x65: {  	_ =	swait.ge @!p0 [sflag:s0], s1  }
0x66: {  	s1 =	ssub.s32 @!p0 $0x0, s1;
	[sflag:s0] =	ssyncset.done @!p0 $0x0  }
0x67: {  	[sflag:s0] =	ssyncadd.s32 @!p0 s1  }
0x68: {  	[bflag:$0x3] =	sbarrier.arrive $0xFFFF  }
0x69: {  	_ =	shalt  }

// kernel: gather_offload_async_start
scs
__scs_entry_jumppad:
0x0: {  	(pc) =	sbr.rel $0x88, $3  }
0x1: {  	(tag) =	ssettag $0x0;
	lr =	simm.s32 $0x1  }
0x2: {  	[smem:$0x3F9E] =	sst lr;
	_ =	strace $0xD0000000  }
0x3: {  	_ = 	snop  }
0x4: {  	_ = 	snop  }
0x5: {  	_ = 	snop  }
0x6: {  	_ = 	snop  }
0x7: {  	_ = 	snop  }
__scs_overlays_trampoline_lowered:
0x8: {  	[smem:$0x3FAD] =	sst s0  }
0x9: {  	[smem:$0x3FAE] =	sst s1  }
0xa: {  	[smem:$0x3FAF] =	sst s2  }
0xb: {  	[smem:$0x3FB0] =	sst s3  }
0xc: {  	[smem:$0x3FB1] =	sst s4  }
0xd: {  	[smem:$0x3FB2] =	sst s5  }
0xe: {  	[smem:$0x3FB3] =	sst s6  }
0xf: {  	[smem:$0x3FB4] =	sst s7  }
0x10: {  	[smem:$0x3FB5] =	sst s8  }
0x11: {  	[smem:$0x3FB6] =	sst s9;
	s0 =	simm.s32 @!p0 $0x0  }
0x12: {  	s1 =	sld [smem:$0x3F9C];
	s0 =	simm.s32 @p0 $0x1  }
0x13: {  	[smem:$0x3FB7] =	sst s0;
	s0 =	simm.s32 @!p1 $0x0  }
0x14: {  	s2 =	sld [smem:$0x3F9B];
	s0 =	simm.s32 @p1 $0x1  }
0x15: {  	[smem:$0x3FB8] =	sst s0;
	s0 =	simm.s32 @!p2 $0x0  }
0x16: {  	s3 =	sld [smem:$0x3FDB];
	s0 =	simm.s32 @p2 $0x1  }
0x17: {  	s4 =	simm.s32 $0x1BF5;
	[smem:$0x3FBA] =	sst s0  }
0x18: {  	s0 =	sld [smem:$0x3F9D];
	_ =	swait.ge [sflag:s4], $0x0  }
0x19: {  	s7 =	sld [smem:$0x3F9E]  }
0x1a: {  	s8 =	sadd.s32 $0xFFFFE003, lr  }
0x1b: {  	s9 =	sadd.s32 $0xFFFFFEF7, lr;
	s5 =	simm.s32 $0xFFFFFFFF;
	p2 =	slt.u32 s8, $0xFFFFF086  }
0x1c: {  	p1 =	slt.u32 s9, $0xF7A;
	s5 =	simm.s32 @!p2 $0x0  }
0x1d: {  	s5 =	simm.s32 @p1 $0x1;
	p0 =	seq.s32 s7, s2  }
0x1e: {  	s7 =	smul.u32 @!p0 $0xF7A, s2;
	p2 =	seq.s32 @!p0 s5, $0x0  }
0x1f: {  	s9 =	smul.u32 $0xF7A, s1;
	s8 =	simm.s32 @!p0 $0x1BF5;
	p2 =	por !p2, p0  }
0x20: {  	[sflag:s8] =	ssyncset.s32 @!p0 $0xFFFFF086;
	s6 =	sadd.s32 @!p0 s3, s7;
	s7 =	simm.s32 @!p0 $0x108  }
0x21: {  	s3 =	sadd.s32 s3, s9;
	s6 =	sadd.s32 @!p0 $0x88, s6;
	s7 =	simm.s32 @p2 $0x1082  }
0x22: {  	[simem:s7], [sflag:s8] =	dma.local @!p0 [hbm:s6], $0xF7A  }
0x23: {  	s9 =	sor.u32 $0xD0000000, s2;
	s6 =	simm.s32 $0x108;
	_ =	swait.ge @!p0 [sflag:s8], $0x0  }
0x24: {  	s3 =	sadd.s32 $0x88, s3;
	s6 =	simm.s32 @!p1 $0x1082;
	[sflag:s4] =	ssyncset.s32 $0xFFFFF086  }
0x25: {  	[simem:s6], [sflag:s4] =	dma.local [hbm:s3], $0xF7A  }
0x26: {  	[smem:$0x3F9E] =	sst s1;
	(tag) =	ssettag s2;
	_ =	strace s9  }
0x27: {  	s1 =	sld [smem:$0x3FAE]  }
0x28: {  	s2 =	sld [smem:$0x3FAF]  }
0x29: {  	s4 =	sld [smem:$0x3FB1]  }
0x2a: {  	p0 =	seq.s32 s5, $0x0;
	s5 =	sld [smem:$0x3FB2]  }
0x2b: {  	s6 =	sld [smem:$0x3FB3]  }
0x2c: {  	s7 =	sld [smem:$0x3FB4]  }
0x2d: {  	s3 =	simm.s32 $0x108;
	s8 =	sld [smem:$0x3FB5]  }
0x2e: {  	s3 =	simm.s32 @!p0 $0x1082;
	s9 =	sld [smem:$0x3FB6]  }
0x2f: {  	lr =	sadd.s32 s0, s3;
	s0 =	sld [smem:$0x3FAD]  }
0x30: {  	s3 =	sld [smem:$0x3FB0]  }
0x31: {  	[smem:$0x3FB9] =	sst s10  }
0x32: {  	s10 =	sld [smem:$0x3FB7];
	_ =	sdelay $0x3  }
0x33: {  	p0 =	seq.s32 s10, $0x1;
	s10 =	sld [smem:$0x3FB9];
	_ =	sdelay $0x3  }
0x34: {  	[smem:$0x3FB9] =	sst s10  }
0x35: {  	s10 =	sld [smem:$0x3FB8];
	_ =	sdelay $0x3  }
0x36: {  	p1 =	seq.s32 s10, $0x1;
	s10 =	sld [smem:$0x3FB9];
	_ =	sdelay $0x3  }
0x37: {  	[smem:$0x3FB9] =	sst s10  }
0x38: {  	s10 =	sld [smem:$0x3FBA]  }
0x39: {  	_ = 	snop;
	(pc) =	sbr.ind lr, $3  }
0x3a: {  	_ = 	snop  }
0x3b: {  	_ = 	snop  }
0x3c: {  	p2 =	seq.s32 s10, $0x1;
	s10 =	sld [smem:$0x3FB9]  }
0x3d: {  	_ =	shalt  }
0x3e: {  	_ =	shalt  }
0x3f: {  	_ =	shalt  }
0x40: {  	_ =	shalt  }
0x41: {  	_ =	shalt  }
0x42: {  	_ =	shalt  }
0x43: {  	_ =	shalt  }
0x44: {  	_ =	shalt  }
0x45: {  	_ =	shalt  }
0x46: {  	_ =	shalt  }
0x47: {  	_ =	shalt  }
0x48: {  	_ =	shalt  }
0x49: {  	_ =	shalt  }
0x4a: {  	_ =	shalt  }
0x4b: {  	_ =	shalt  }
0x4c: {  	_ =	shalt  }
0x4d: {  	_ =	shalt  }
0x4e: {  	_ =	shalt  }
0x4f: {  	_ =	shalt  }
0x50: {  	_ =	shalt  }
0x51: {  	_ =	shalt  }
0x52: {  	_ =	shalt  }
0x53: {  	_ =	shalt  }
0x54: {  	_ =	shalt  }
0x55: {  	_ =	shalt  }
0x56: {  	_ =	shalt  }
0x57: {  	_ =	shalt  }
0x58: {  	_ =	shalt  }
0x59: {  	_ =	shalt  }
0x5a: {  	_ =	shalt  }
0x5b: {  	_ =	shalt  }
0x5c: {  	_ =	shalt  }
0x5d: {  	_ =	shalt  }
0x5e: {  	_ =	shalt  }
0x5f: {  	_ =	shalt  }
0x60: {  	_ =	shalt  }
0x61: {  	_ =	shalt  }
0x62: {  	_ =	shalt  }
0x63: {  	_ =	shalt  }
0x64: {  	_ =	shalt  }
0x65: {  	_ =	shalt  }
0x66: {  	_ =	shalt  }
0x67: {  	_ =	shalt  }
0x68: {  	_ =	shalt  }
0x69: {  	_ =	shalt  }
0x6a: {  	_ =	shalt  }
0x6b: {  	_ =	shalt  }
0x6c: {  	_ =	shalt  }
0x6d: {  	_ =	shalt  }
0x6e: {  	_ =	shalt  }
0x6f: {  	_ =	shalt  }
0x70: {  	_ =	shalt  }
0x71: {  	_ =	shalt  }
0x72: {  	_ =	shalt  }
0x73: {  	_ =	shalt  }
0x74: {  	_ =	shalt  }
0x75: {  	_ =	shalt  }
0x76: {  	_ =	shalt  }
0x77: {  	_ =	shalt  }
0x78: {  	_ =	shalt  }
0x79: {  	_ =	shalt  }
0x7a: {  	_ =	shalt  }
0x7b: {  	_ =	shalt  }
0x7c: {  	_ =	shalt  }
0x7d: {  	_ =	shalt  }
0x7e: {  	_ =	shalt  }
0x7f: {  	_ =	shalt  }
0x80: {  	_ =	shalt  }
0x81: {  	_ =	shalt  }
0x82: {  	_ =	shalt  }
0x83: {  	_ =	shalt  }
0x84: {  	_ =	shalt  }
0x85: {  	_ =	shalt  }
0x86: {  	_ =	shalt  }
0x87: {  	_ =	shalt  }
.Lfunc_end0:
.L_simem_size_0:
called_computation_lowered:
.L_overlay_start_0:
0x88: {  	s2 =	sld [smem:$0x3FD9]  }
0x89: {  	s3 =	sld [smem:$0x3FFE];
	_ =	sdelay $0x1  }
0x8a: {  	s1 =	srdreg.scid  }
0x8b: {  	s0 =	sand.u32 $0x1, s1  }
0x8c: {  	s14 =	sshll.u32 s0, $0xA;
	s2 =	sadd.s32 s3, s2  }
0x8d: {  	s2 =	sadd.s32 s2, s14  }
0x8e: {  	[smem:$0x3FC5] =	sst s2  }
0x8f: {  	_ = 	snop  }
0x90: {  	s2 =	sld [smem:$0x3FD0];
	_ =	sdelay $0x2  }
0x91: {  	s15 =	simm.s32 $0xA;
	s4 =	simm.s32 $0x10  }
0x92: {  	[smem:s4], [sflag:s15] =	dma.local [hbm:s2], $0x1  }
0x93: {  	_ =	swait.eq [sflag:s15], $0x1  }
0x94: {  	[sflag:s15] =	ssyncset.done $0x0  }
0x95: {  	[sflag:s15] =	ssyncadd.s32 $0xFFFFFFFF  }
0x96: {  	s16 =	sld [smem:$0x12];
	(tm) =	ssettm $0x1  }
0x97: {  	s17 =	sld [smem:$0x3FFB];
	_ =	sdelay $0x3  }
0x98: {  	_ =	strace s17  }
0x99: {  	s3 =	sld [smem:$0x3FFC];
	_ =	sdelay $0x3  }
0x9a: {  	_ =	strace s3  }
0x9b: {  	s3 =	sld [smem:$0x3FFD];
	_ =	sdelay $0x3  }
0x9c: {  	_ =	strace s3  }
0x9d: {  	_ =	strace $0x8FFFFFFF  }
0x9e: {  	s18 =	sld [smem:$0x3FDB];
	_ =	sdelay $0x1  }
0x9f: {  	s19 =	simm.s32 $_scs_section_size  }
0xa0: {  	s5 =	simm.s32 $_size__tile_overlayer_lowered;
	s6 =	simm.s32 $_tile_overlayer_lowered  }
0xa1: {  	s22 =	simm.s32 $0x1BFF;
	s21 =	sshll.u32 s6, $0x1;
	s3 =	sadd.s32 s19, s18  }
0xa2: {  	s7 =	simm.s32 $0x0;
	s20 =	sshll.u32 s5, $0x1;
	s5 =	sadd.s32 s21, s3  }
0xa3: {  	[timem:s7], [sflag:s22] =	dma.local [hbm:s5], s20  }
0xa4: {  	_ =	swait.ge [sflag:s22], s20  }
0xa5: {  	s4 =	ssub.s32 $0x0, s20;
	[sflag:s22] =	ssyncset.done $0x0  }
0xa6: {  	[sflag:s22] =	ssyncadd.s32 s4;
	_ =	sdelay $0x1  }
0xa7: {  	s23 =	simm.s32 $0x1B8B  }
0xa8: {  	_ =	swait.ge [sflag:s23], $0x1  }
0xa9: {  	[sflag:s23] =	ssyncset.done $0x0  }
0xaa: {  	s25 =	simm.s32 $0x1B8E;
	s24 =	sld [smem:$0x3FFE];
	[sflag:s23] =	ssyncadd.s32 $0xFFFFFFFF  }
0xab: {  	s26 =	simm.s32 $execute0_lowered;
	[smem:$0x3FD2] =	sst s25  }
0xac: {  	s5 =	sshll.u32 s26, $0x1;
	_ =	strace $0x80000046;
	[dreg:$0x1] =	wrdreg $0xFFFFFFFF  }
0xad: {  	s28 =	simm.s32 $_size_execute0_lowered;
	s3 =	sadd.s32 s3, s5;
	[dreg:$0x0] =	wrdreg $0x0  }
0xae: {  	s5 =	sshll.u32 s28, $0x1;
	[dreg:$0x2] =	wrdreg s3  }
0xaf: {  	[dreg:$0x3] =	wrdreg s5  }
0xb0: {  	[dreg:$0x4] =	wrdreg $0xC0  }
0xb1: {  	_ =	task [dreg:s7], $0x5FFFF  }
0xb2: {  	[dreg:$0x1] =	wrdreg $0xFFFFFFFF  }
0xb3: {  	[dreg:$0x0] =	wrdreg $0x60  }
0xb4: {  	[dreg:$0x2] =	wrdreg s24  }
0xb5: {  	[dreg:$0x3] =	wrdreg s16  }
0xb6: {  	[dreg:$0x4] =	wrdreg $0x9  }
0xb7: {  	_ =	task.clear_ibuf [dreg:s7], $0x5FFFF;
	_ =	strace $0x90000046  }
0xb8: {  	s29 =	simm.s32 $0x9;
	_ =	strace $0x80000048  }
0xb9: {  	_ =	swait.ge [sflag:s29], $0x1  }
0xba: {  	[sflag:s29] =	ssyncadd.s32 $0xFFFFFFFF  }
0xbb: {  	_ =	strace $0x90000048  }
0xbc: {  	_ =	sfence  }
0xbd: {  	s30 =	sld [smem:$0x0];
	_ =	sdelay $0x2  }
0xbe: {  	s31 =	sshll.u32 s1, $0xD;
	s1 =	sshrl.u32 s1, $0x2  }
0xbf: {  	s3 =	sand.u32 $0x4000, s31;
	s1 =	sadd.s32 s1, s30  }
0xc0: {  	s0 =	sor.u32 s3, s0;
	s1 =	sshll.u32 s1, $0x11  }
0xc1: {  	s0 =	sor.u32 s1, s0  }
0xc2: {  	s0 =	sadd.s32 $0x8F2B, s0  }
0xc3: {  	[sflag:s0] =	ssyncadd.remote.s32 $0x1  }
0xc4: {  	_ =	sfence.sel $0xFFFF  }
0xc5: {  	[dreg:$0x0] =	wrdreg $0xFFFFFFFF;
	(pc) =	sbr.abs _section_cstart, $3  }
0xc6: {  	[dreg:$0x1] =	wrdreg $0xFFFFFFFF  }
0xc7: {  	_ =	task.clear_ibuf [dreg:s7], $0x2FFFF;
	_ =	strace $0x9FFFFFFF  }
0xc8: {  	(tm) =	ssettm $0x7FFFFFFF  }
0xc9: {  	_ =	shalt  }
tec
execute0_lowered:
.L_overlay_start_1:
0x0: {  	(tag) =	ssettag $0x1  }
0x1: {  	s0 =	srdreg.scid  }
0x2: {  	s1 =	sshll.u32 s0, $0x4  }
0x3: {  	s0 =	stileid.u32;
	s1 =	sand.u32 $0x10, s1  }
0x4: {  	s2 =	sor.u32 s0, s1  }
0x5: {  	s1 =	smin.u32 s2, $0x1C  }
0x6: {  	s1 =	sadd.s32 s2, s1  }
0x7: {  	p0 =	slt.u32 s2, $0x1C;
	s2 =	simm.s32 $0x50;
	s1 =	smul.u32 $0x28, s1  }
0x8: {  	s2 =	simm.s32 @!p0 $0x28  }
0x9: {  	s2 =	sadd.s32 s2, s1  }
0xa: {  	s3 =	smin.u32 s2, $0x960  }
0xb: {  	s7 =	ssub.s32 s3, s1  }
0xc: {  	p0 =	sgt.s32 s7, $0x0  }
0xd: {  	s7 =	simm.s32 @!p0 $0x0  }
0xe: {  	s4 =	rddreg [dreg:$0x0];
	s31 =	smul.u32 $0xCCCD, s7  }
0xf: {  	s5 =	rddreg [dreg:$0x1]  }
0x10: {  	s6 =	simm.s32 $0x1;
	s10 =	simm.s32 $0x3;
	s8 =	sshrl.u32 s31, $0x15  }
0x11: {  	s13 =	simm.s32 $0x0;
	s12 =	simm.s32 $0x0;
	s9 =	smul.u32 $0x28, s8  }
.Ltmp0:
0x12: {  	s11 =	smov.u32 s1;
	s2 =	rddreg [dreg:$0x2];
	(pc) =	sbr.rel .LBB2_1-.Ltmp0, $4  }
0x13: {  	_ =	strace $0x80000047;
	p0 =	sne.s32 s7, s9;
	s9 =	simm.s32 $0x1  }
0x14: {  	[sflag:s6] =	ssyncpa.u1 $0x0;
	s7 =	simm.s32 $0x2;
	s9 =	simm.s32 @!p0 $0x0  }
0x15: {  	[sflag:s7] =	ssyncpa.u1 $0x0;
	p0 =	por $0x0, $0x0;
	s8 =	sadd.s32 s8, s9  }
0x16: {  	vm0 =	vmmov $0xff;
	vm1 =	vcmask $0x3F20;
	s9 =	sadd.s32 $0x271000, s4;
	[sflag:s10] =	ssyncpa.u1 $0x0;
	s10 =	sadd.s32 $0x1, s8  }
.LBB2_6:
0x17: {  	[hbm:s17] =	stream.linear.scatter [tilespmem:s14], [sflag:$0x3], $0x400, $0x38;
	[tilespmem:$0x2850] =	vst v63  }
.LBB2_7:
0x18: {  	s13 =	sadd.s32 $0x28, s11  }
0x19: {  	s15 =	smov.u32 s1;
	p2 =	slt.s32 s13, s3  }
0x1a: {  	s15 =	smov.u32 @p2 s13;
	p2 =	sne.s32 s12, s10  }
.Ltmp1:
0x1b: {  	p1 =	slt.u32 s12, $0x2;
	(pc) =	sbr.rel @!p2 .LBB2_8-.Ltmp1, $4  }
0x1c: {  	s14 =	simm.s32 @!p1 $0x3  }
0x1d: {  	s16 =	sadd.s32 $0x1, s12;
	_ =	swait.ge @!p1 [sflag:s14], $0x1400  }
0x1e: {  	p0 =	por !p0, !p0;
	s13 =	smov.u32 s11;
	[sflag:s14] =	ssyncset.done @!p1 $0x0  }
0x1f: {  	s12 =	smov.u32 s16;
	s11 =	smov.u32 s15;
	[sflag:s14] =	ssyncadd.s32 @!p1 $0xFFFFEC00  }
.LBB2_1:
0x20: {  	p1 =	sge.u32 s12, s8  }
0x21: {  	s14 =	sxor.u32 @!p1 $0xFFFFFFFF, s12  }
0x22: {  	s14 =	sand.u32 @!p1 $0x1, s14  }
0x23: {  	s14 =	smul.u32 @!p1 $0xA0, s14  }
0x24: {  	s31 =	sadd.s32 $0xFFFFFFFF, s12;
	s15 =	sshrl.u32 @!p1 s11, $0x3  }
0x25: {  	s16 =	sand.u32 @!p1 $0x7, s11;
	s15 =	sadd.s32 @!p1 s5, s15;
	s14 =	sshrl.u32 @!p1 s14, $0x2  }
0x26: {  	[tilespmem:s14], [sflag:$0x2] =	stream.linear.gather @!p1 [hbm4b:s15+s16], $0x28, $0x38;
	[tilespmem:$0x2850] =	vst v63  }
0x27: {  	p1 =	sge.u32 s31, s8  }
.Ltmp2:
0x28: {  	_ = 	snop;
	(pc) =	sbr.rel @p1 .LBB2_7-.Ltmp2, $1  }
0x29: {  	_ =	sdelay $0x3  }
0x2a: {  	s15 =	sand.u32 $0x1, s12  }
0x2b: {  	s14 =	simm.s32 $0x1;
	s16 =	smul.u32 $0xA0, s15  }
0x2c: {  	s14 =	simm.s32 @!p0 $0x0;
	s15 =	smul.u32 $0x5000, s15  }
0x2d: {  	_ =	swait.ge [sflag:s7], $0x28;
	s14 =	smul.u32 $0x5000, s14  }
0x2e: {  	s18 =	simm.s32 $0x0;
	p1 =	por $0x1, $0x1;
	[sflag:s7] =	ssyncset.done $0x0  }
0x2f: {  	[sflag:s7] =	ssyncadd.s32 $0xFFFFFFD8;
	s15 =	sshrl.u32 s15, $0x2;
	s14 =	sshrl.u32 s14, $0x2  }
0x30: {  	s16 =	sshrl.u32 s16, $0x2;
	s17 =	sor.u32 $0x50, s15;
	s14 =	sor.u32 $0x50, s14  }
.LBB2_3:
0x31: {  	s19 =	sshll.u32 s18, $0x4  }
0x32: {  	s19 =	sand.u32 $0x3FFFFFF0, s19  }
0x33: {  	s19 =	sadd.s32 s19, s16  }
0x34: {  	v0 =	vld.msk [tilespmem:s19+$0x0 ss:$0x1], $0xffff;
	_ =	sdelay $0x4  }
0x35: {  	v1 =	vand.u32 $0x7, v0;
	v2 =	vshll.u32 v0, $0x4  }
0x36: {  	vm2 =	veq.s32 v0, $0x80000000;
	v61 =	vmul.u32 $0x271000, v1;
	v62 =	vand.u32 $0x3FFF80, v2  }
0x37: {  	v1 =	vsel vm2, $0xFFFFFF80, v62  }
0x38: {  	v0 =	vsel vm2, $0xFFD8F000, v61;
	v63 =	vand.u32 $0xFFFFFC00, v1  }
0x39: {  	v1 =	vand.u32 $0x380, v1;
	v0 =	vadd.s32 v0, v63  }
0x3a: {  	v0 =	vor.u32 v1, v0  }
0x3b: {  	v0 =	vshrl.u32 v0, $0x3;
	_ =	sdelay $0x1  }
0x3c: {  	s31 =	sshll.u32 s18, $0xB  }
0x3d: {  	p2 =	por p1, p1;
	s18 =	sand.u32 $0x3FFFF800, s31  }
.Ltmp3:
0x3e: {  	s18 =	sadd.s32 s18, s17;
	(pc) =	sbr.rel @p2 .LBB2_3-.Ltmp3, $4  }
0x3f: {  	[tilespmem:s18], [sflag:$0x1] =	stream.indirect_vreg.gather [hbm:s4], $0x80, v0, vm0, $0x38;
	[tilespmem:$0x2850] =	vst v63  }
0x40: {  	s18 =	sadd.s32 $0x400, s18  }
0x41: {  	[tilespmem:s18], [sflag:$0x1] =	stream.indirect_vreg.gather [hbm:s4], $0x80, v0, vm1, $0x38;
	[tilespmem:$0x2850] =	vst v63  }
0x42: {  	p1 =	por $0x0, $0x0;
	s18 =	simm.s32 $0x1  }
0x43: {  	v0 =	vld.msk [tilespmem:s16+$0x20 ss:$0x1], $0xff;
	_ =	sdelay $0x4  }
0x44: {  	v1 =	vand.u32 $0x7, v0;
	v2 =	vshll.u32 v0, $0x4  }
0x45: {  	vm2 =	veq.s32 v0, $0x80000000;
	v61 =	vmul.u32 $0x271000, v1;
	v62 =	vand.u32 $0x3FFF80, v2  }
0x46: {  	v1 =	vsel vm2, $0xFFFFFF80, v62  }
0x47: {  	v0 =	vsel vm2, $0xFFD8F000, v61;
	v63 =	vand.u32 $0xFFFFFC00, v1  }
0x48: {  	v1 =	vand.u32 $0x380, v1;
	v0 =	vadd.s32 v0, v63  }
0x49: {  	v0 =	vor.u32 v1, v0  }
0x4a: {  	v0 =	vshrl.u32 v0, $0x3;
	_ =	sdelay $0x3  }
0x4b: {  	s15 =	sadd.s32 $0x1050, s15  }
0x4c: {  	[tilespmem:s15], [sflag:$0x1] =	stream.indirect_vreg.gather [hbm:s4], $0x80, v0, vm0, $0x38;
	[tilespmem:$0x2850] =	vst v63  }
0x4d: {  	s13 =	sshll.u32 s13, $0x4;
	_ =	swait.ge [sflag:s6], $0x1400  }
0x4e: {  	s16 =	sadd.s32 $0x400, s14;
	s13 =	sadd.s32 s13, s9;
	[sflag:s6] =	ssyncset.done $0x0  }
0x4f: {  	s17 =	sadd.s32 $0x0, s13;
	s15 =	simm.s32 $0x80;
	[sflag:s6] =	ssyncadd.s32 $0xFFFFEC00  }
.LBB2_5:
0x50: {  	[hbm:s17] =	stream.linear.scatter [tilespmem:s14], [sflag:$0x3], $0x400, $0x38;
	[tilespmem:$0x2850] =	vst v63  }
0x51: {  	s17 =	smov.u32 s15;
	s14 =	smov.u32 s16;
	p1 =	sne.s32 s15, $0x200  }
.Ltmp4:
0x52: {  	s15 =	sadd.s32 $0x80, s15;
	(pc) =	sbr.rel @p1 .LBB2_5-.Ltmp4, $2  }
0x53: {  	_ =	sdelay $0x2  }
0x54: {  	s16 =	sadd.s32 $0x400, s16;
	s17 =	sadd.s32 s17, s13  }
.Ltmp5:
0x55: {  	_ = 	snop;
	(pc) =	sbr.rel .LBB2_6-.Ltmp5, $1  }
0x56: {  	_ =	sdelay $0x3  }
.LBB2_8:
0x57: {  	_ =	sfence.sel $0x180000  }
0x58: {  	s1 =	simm.s32 $0x2;
	[bflag:$0x0] =	sbarrier.arrive $0xFFFF  }
0x59: {  	s30 =	simm.s32 $0x3;
	[sflag:s1] =	ssyncpa.u1 $0x1  }
0x5a: {  	s31 =	simm.s32 $0x1;
	[sflag:s30] =	ssyncpa.u1 $0x1  }
0x5b: {  	[sflag:s31] =	ssyncpa.u1 $0x1  }
0x5c: {  	p0 =	sne.s32 s0, $0x0;
	_ =	strace $0x90000047  }
0x5d: {  	s0 =	sadd.s32 @!p0 $0x100000, s2;
	[bflag:$0x2] =	sbarrier.arrive $0xFFFF  }
0x5e: {  	[sflag:s0] =	ssyncadd.tile.s32 @!p0 $0x1;
	_ =	shalt  }
.Lfunc_end2:
_tile_overlayer_lowered:
.L_overlay_start_2:
0x5f: {  	(tag) =	ssettag $0x2  }
0x60: {  	s0 =	rddreg [dreg:$0x0];
	s2 =	stileid.u32  }
0x61: {  	s1 =	rddreg [dreg:$0x1];
	p0 =	sne.s32 s2, $0x0  }
0x62: {  	s3 =	rddreg [dreg:$0x2];
	[bflag:$0x3] =	sbarrier.arrive $0xFFFF;
	s2 =	simm.s32 @!p0 $0x1C01  }
0x63: {  	[timem:s3], [sflag:s2] =	dma.local @!p0 [hbm:s0], s1  }
0x64: {  	s0 =	simm.s32 @!p0 $0x1  }
0x65: {  	_ =	swait.ge @!p0 [sflag:s0], s1  }
0x66: {  	s1 =	ssub.s32 @!p0 $0x0, s1;
	[sflag:s0] =	ssyncset.done @!p0 $0x0  }
0x67: {  	[sflag:s0] =	ssyncadd.s32 @!p0 s1  }
0x68: {  	[bflag:$0x3] =	sbarrier.arrive $0xFFFF  }
0x69: {  	_ =	shalt  }

</sc_bundles>
